<compile_context>
chip_gen: v7x
topology: tpu7x:2x2x1
jax: 0.10.2.dev20260603
libtpu: 0.0.44.dev20260713+nightly
codegen_flags: <defaults>
</compile_context>

<pallas_src>
import functools

import jax
import jax.numpy as jnp
from jax import lax
from jax.experimental import pallas as pl
from jax.experimental.pallas import tpu as pltpu
from jax.experimental.pallas import tpu_sc as plsc



def _sc_gather(table, idx):
    B, = idx.shape
    V, D = table.shape
    info = plsc.get_sparse_core_info()
    NC, NS = info.num_cores, info.num_subcores
    NW = NC * NS
    b_per_w = B // NW
    ch = b_per_w
    while ch * D * 4 > 262144:
        ch //= 2
    n_ch = b_per_w // ch

    mesh = plsc.VectorSubcoreMesh(core_axis_name="c", subcore_axis_name="s")

    @functools.partial(
        pl.kernel,
        mesh=mesh,
        out_type=jax.ShapeDtypeStruct((B, D), jnp.float32),
        scratch_types=[
            pltpu.VMEM((ch,), jnp.int32),
            pltpu.VMEM((ch, D), jnp.float32),
            pltpu.SemaphoreType.DMA,
        ],
    )
    def gather_kernel(table_hbm, idx_hbm, out_hbm, idx_v, rows_v, sem):
        wid = lax.axis_index("s") * NC + lax.axis_index("c")
        base = wid * b_per_w
        for c in range(n_ch):
            off = base + c * ch
            pltpu.sync_copy(idx_hbm.at[pl.ds(off, ch)], idx_v)
            pltpu.async_copy(table_hbm.at[idx_v], rows_v, sem).wait()
            pltpu.sync_copy(rows_v, out_hbm.at[pl.ds(off, ch)])

    return gather_kernel(table, idx)



def _moe_ffn(h_bf, ids, rw, W1, b1, W2, b2):
    S, D = h_bf.shape
    E, _, FF = W1.shape
    K = ids.shape[0]
    Fb = min(512, FF)
    NF = FF // Fb

    def body(ids_ref, rw_ref, h_ref, w1_ref, b1_ref, w2_ref, b2_ref, out_ref):
        k = pl.program_id(0)
        f = pl.program_id(1)
        w = rw_ref[k]
        w1 = w1_ref[0].astype(jnp.bfloat16)
        inter = jnp.dot(h_ref[...], w1, preferred_element_type=jnp.float32)
        inter = (jax.nn.gelu(inter + b1_ref[0]) * w).astype(jnp.bfloat16)
        w2 = w2_ref[0].astype(jnp.bfloat16)
        contrib = jnp.dot(inter, w2, preferred_element_type=jnp.float32)

        @pl.when((k == 0) & (f == 0))
        def _():
            out_ref[...] = contrib + w * b2_ref[0]

        @pl.when((k > 0) & (f == 0))
        def _():
            out_ref[...] += contrib + w * b2_ref[0]

        @pl.when(f > 0)
        def _():
            out_ref[...] += contrib

    grid_spec = pltpu.PrefetchScalarGridSpec(
        num_scalar_prefetch=2,
        grid=(K, NF),
        in_specs=[
            pl.BlockSpec((S, D), lambda k, f, ids, rw: (0, 0)),
            pl.BlockSpec((1, D, Fb), lambda k, f, ids, rw: (ids[k], 0, f)),
            pl.BlockSpec((1, 1, Fb), lambda k, f, ids, rw: (ids[k], 0, f)),
            pl.BlockSpec((1, Fb, D), lambda k, f, ids, rw: (ids[k], f, 0)),
            pl.BlockSpec((1, 1, D), lambda k, f, ids, rw: (ids[k], 0, 0)),
        ],
        out_specs=pl.BlockSpec((S, D), lambda k, f, ids, rw: (0, 0)),
    )
    return pl.pallas_call(
        body,
        grid_spec=grid_spec,
        out_shape=jax.ShapeDtypeStruct((S, D), jnp.float32),
        compiler_params=pltpu.CompilerParams(
            dimension_semantics=("arbitrary", "arbitrary"),
            vmem_limit_bytes=112 * 1024 * 1024,
        ),
    )(ids, rw, h_bf, W1, b1.reshape(E, 1, FF), W2, b2.reshape(E, 1, D))



def _head_body(c_ref, t_ref, o_ref):
    t = t_ref[...].astype(jnp.bfloat16)
    o_ref[...] = lax.dot_general(
        c_ref[...], t, (((1,), (1,)), ((), ())),
        preferred_element_type=jnp.float32)


def _head(combined_bf, tok_emb):
    S, D = combined_bf.shape
    V, _ = tok_emb.shape
    Vb = 1280 if V % 1280 == 0 else V
    NV = V // Vb
    return pl.pallas_call(
        _head_body,
        grid=(NV,),
        in_specs=[
            pl.BlockSpec((S, D), lambda v: (0, 0)),
            pl.BlockSpec((Vb, D), lambda v: (v, 0)),
        ],
        out_specs=pl.BlockSpec((S, Vb), lambda v: (0, v)),
        out_shape=jax.ShapeDtypeStruct((S, V), jnp.float32),
        compiler_params=pltpu.CompilerParams(
            dimension_semantics=("arbitrary",),
            vmem_limit_bytes=112 * 1024 * 1024,
        ),
    )(combined_bf, tok_emb)



def kernel(input_ids, tok_emb, pos_emb, Wr, W1, b1, W2, b2):
    Bsz, S = input_ids.shape
    V, D = tok_emb.shape
    TOPK = 2

    idx = input_ids.reshape(-1).astype(jnp.int32)
    gathered = _sc_gather(tok_emb, idx)
    h = gathered + jnp.tile(pos_emb[:S], (Bsz, 1))

    hB = h.reshape(Bsz, S, D)
    pooled = hB.mean(axis=(0, 1))
    scores = Wr @ pooled
    vals, ids = lax.top_k(scores, TOPK)
    rw = jax.nn.softmax(vals)

    h_bf = h.astype(jnp.bfloat16)
    combined = _moe_ffn(h_bf, ids.astype(jnp.int32), rw, W1, b1, W2, b2)
    logits = _head(combined.astype(jnp.bfloat16), tok_emb)
    return logits.reshape(Bsz, S, V)

# --- scband reference (transcript-rebuilt; emitter-appended) ---
"""Pipeline reference for scband-pragnosia-model-34256659153052 (READ-ONLY COPY).

The authoritative reference and input builder live on the scoring server;
editing this copy changes nothing except your own understanding.
"""

import jax, jax.numpy as jnp
import numpy as np

VOCAB = 32000
D = 2048
SEQ = 2048
B = 1
E = 8
TOPK = 2
FF = 8192
MAXPOS = 2048


def setup_inputs(seed: int = 0) -> dict:
    key = jax.random.key(seed)
    ks = jax.random.split(key, 8)
    inp = {
        "input_ids": jax.random.randint(ks[0], (B, SEQ), 0, VOCAB),
        "tok_emb": jax.random.normal(ks[1], (VOCAB, D), dtype=jnp.float32) * 0.02,
        "pos_emb": jax.random.normal(ks[2], (MAXPOS, D), dtype=jnp.float32) * 0.02,
        "Wr": jax.random.normal(ks[3], (E, D), dtype=jnp.float32) * 0.02,
        "W1": jax.random.normal(ks[4], (E, D, FF), dtype=jnp.float32) * 0.02,
        "b1": jnp.zeros((E, FF), dtype=jnp.float32),
        "W2": jax.random.normal(ks[5], (E, FF, D), dtype=jnp.float32) * 0.02,
        "b2": jnp.zeros((E, D), dtype=jnp.float32),
    }
    return inp


def reference(input_ids, tok_emb, pos_emb, Wr, W1, b1, W2, b2):
    # Token + position embeddings (gathers -> SparseCore-friendly)
    Bsz, S = input_ids.shape
    h = jnp.take(tok_emb, input_ids, axis=0) + pos_emb[:S][None, :, :]

    # Hebbian router: pooled features -> expert scores -> global top-k expert selection
    pooled = h.mean(axis=(0, 1))                  # [D]
    scores = Wr @ pooled                          # [E]
    vals, ids = jax.lax.top_k(scores, TOPK)       # selected_expert_ids
    routing_weights = jax.nn.softmax(vals)        # weights over selected experts

    # Gather only the selected experts' FFN weights (on-demand expert loading)
    W1s = jnp.take(W1, ids, axis=0)               # [K, D, FF]
    b1s = jnp.take(b1, ids, axis=0)               # [K, FF]
    W2s = jnp.take(W2, ids, axis=0)               # [K, FF, D]
    b2s = jnp.take(b2, ids, axis=0)               # [K, D]

    inter = jax.nn.gelu(jnp.einsum('bsd,kdf->kbsf', h, W1s) + b1s[:, None, None, :])
    eout = jnp.einsum('kbsf,kfd->kbsd', inter, W2s) + b2s[:, None, None, :]

    # Weighted combination of expert outputs
    combined = jnp.sum(routing_weights[:, None, None, None] * eout, axis=0)

    # Output head with tied embedding weights
    logits = combined @ tok_emb.T                 # [B, S, VOCAB]
    return logits

if __name__ == "__main__":
    import jax
    _d = setup_inputs()
    print(jax.jit(kernel)(*tuple(_d.values())))

</pallas_src>

<mosaic_0001>
#map = affine_map<(d0, d1) -> (0, 0)>
#map1 = affine_map<(d0, d1) -> (0)>
module attributes {stable_mosaic.version = 14 : i64} {
  func.func @gather_kernel(%arg0: i32, %arg1: i32, %arg2: memref<32000x2048xf32, #tpu.memory_space<hbm>>, %arg3: memref<2048xi32, #tpu.memory_space<hbm>>, %arg4: memref<2048x2048xf32, #tpu.memory_space<hbm>>, %arg5: memref<32xi32, #tpu.memory_space<vmem>>, %arg6: memref<32x2048xf32, #tpu.memory_space<vmem>>, %arg7: memref<!tpu.dma_semaphore, #tpu.memory_space<semaphore_mem>>) attributes {dimension_semantics = [#tpu.dimension_semantics<core_parallel>, #tpu.dimension_semantics<subcore_parallel>], iteration_bounds = array<i64: 2, 16>, scalar_prefetch = 0 : i64, scratch_operands = 3 : i64, tpu.core_type = #tpu.core_type<sc_vector_subcore>, window_params = [{transform_indices = #map}, {transform_indices = #map1}, {transform_indices = #map}]} {
    %mul3A = arith.constant 2 : i32
    %mul3A_0 = arith.muli %arg1, %mul3A : i32
    %add3A = arith.addi %mul3A_0, %arg0 : i32
    %mul3A_1 = arith.constant 64 : i32
    %mul3A_2 = arith.muli %add3A, %mul3A_1 : i32
    %add3A_3 = arith.constant 0 : i32
    %add3A_4 = arith.addi %mul3A_2, %add3A_3 : i32
    "tpu.region"() ({
      %run_scoped3A = tpu.sem_alloc : memref<!tpu.dma_semaphore, #tpu.memory_space<semaphore_mem>>
      %dma_start3A_17 = tpu.memref_slice %arg3[%add3A_4] : memref<2048xi32, #tpu.memory_space<hbm>> -> memref<32xi32, #tpu.memory_space<hbm>>
      %dma_start3A_18 = tpu.memref_slice %arg3[%add3A_4] : memref<2048xi32, #tpu.memory_space<hbm>> -> memref<32xi32, #tpu.memory_space<hbm>>
      tpu.enqueue_dma source(%dma_start3A_18 : memref<32xi32, #tpu.memory_space<hbm>>) target(%arg5 : memref<32xi32, #tpu.memory_space<vmem>>) target_semaphore(%run_scoped3A : memref<!tpu.dma_semaphore, #tpu.memory_space<semaphore_mem>>)
      %dma_wait3A_19 = tpu.memref_slice %arg3[%add3A_4] : memref<2048xi32, #tpu.memory_space<hbm>> -> memref<32xi32, #tpu.memory_space<hbm>>
      %dma_wait3A_20 = tpu.memref_slice %arg3[%add3A_4] : memref<2048xi32, #tpu.memory_space<hbm>> -> memref<32xi32, #tpu.memory_space<hbm>>
      tpu.wait_dma2 semaphore(%run_scoped3A : memref<!tpu.dma_semaphore, #tpu.memory_space<semaphore_mem>>) src(%dma_wait3A_20 : memref<32xi32, #tpu.memory_space<hbm>>) dst(%arg5 : memref<32xi32, #tpu.memory_space<vmem>>)
      tpu.yield
    }) : () -> ()
    %dma_start3A = arith.constant 0 : i32
    %dma_start3A_5 = arith.constant 0 : i32
    %dma_start3A_6 = tpu.memref_slice %arg2[%dma_start3A, %dma_start3A_5] : memref<32000x2048xf32, #tpu.memory_space<hbm>> -> memref<32000x2048xf32, #tpu.memory_space<hbm>>
    tpu.enqueue_indirect_dma source(%dma_start3A_6 : memref<32000x2048xf32, #tpu.memory_space<hbm>>) target(%arg6 : memref<32x2048xf32, #tpu.memory_space<vmem>>) offsets(%arg5 : memref<32xi32, #tpu.memory_space<vmem>>) semaphore(%arg7 : memref<!tpu.dma_semaphore, #tpu.memory_space<semaphore_mem>>)
    %dma_wait3A = arith.constant 0 : i32
    %dma_wait3A_7 = arith.constant 0 : i32
    %dma_wait3A_8 = tpu.memref_slice %arg2[%dma_wait3A, %dma_wait3A_7] : memref<32000x2048xf32, #tpu.memory_space<hbm>> -> memref<32000x2048xf32, #tpu.memory_space<hbm>>
    tpu.wait_indirect_dma semaphore(%arg7 : memref<!tpu.dma_semaphore, #tpu.memory_space<semaphore_mem>>) src(%dma_wait3A_8 : memref<32000x2048xf32, #tpu.memory_space<hbm>>) dst(%arg6 : memref<32x2048xf32, #tpu.memory_space<vmem>>)
    "tpu.region"() ({
      %run_scoped3A = tpu.sem_alloc : memref<!tpu.dma_semaphore, #tpu.memory_space<semaphore_mem>>
      %dma_start3A_17 = arith.constant 0 : i32
      %dma_start3A_18 = tpu.memref_slice %arg4[%add3A_4, %dma_start3A_17] : memref<2048x2048xf32, #tpu.memory_space<hbm>> -> memref<32x2048xf32, #tpu.memory_space<hbm>>
      %dma_start3A_19 = arith.constant 0 : i32
      %dma_start3A_20 = tpu.memref_slice %arg4[%add3A_4, %dma_start3A_19] : memref<2048x2048xf32, #tpu.memory_space<hbm>> -> memref<32x2048xf32, #tpu.memory_space<hbm>>
      tpu.enqueue_dma source(%arg6 : memref<32x2048xf32, #tpu.memory_space<vmem>>) target(%dma_start3A_20 : memref<32x2048xf32, #tpu.memory_space<hbm>>) target_semaphore(%run_scoped3A : memref<!tpu.dma_semaphore, #tpu.memory_space<semaphore_mem>>)
      %dma_wait3A_21 = arith.constant 0 : i32
      %dma_wait3A_22 = tpu.memref_slice %arg4[%add3A_4, %dma_wait3A_21] : memref<2048x2048xf32, #tpu.memory_space<hbm>> -> memref<32x2048xf32, #tpu.memory_space<hbm>>
      %dma_wait3A_23 = arith.constant 0 : i32
      %dma_wait3A_24 = tpu.memref_slice %arg4[%add3A_4, %dma_wait3A_23] : memref<2048x2048xf32, #tpu.memory_space<hbm>> -> memref<32x2048xf32, #tpu.memory_space<hbm>>
      tpu.wait_dma2 semaphore(%run_scoped3A : memref<!tpu.dma_semaphore, #tpu.memory_space<semaphore_mem>>) src(%arg6 : memref<32x2048xf32, #tpu.memory_space<vmem>>) dst(%dma_wait3A_24 : memref<32x2048xf32, #tpu.memory_space<hbm>>)
      tpu.yield
    }) : () -> ()
    %add3A_9 = arith.constant 32 : i32
    %add3A_10 = arith.addi %mul3A_2, %add3A_9 : i32
    "tpu.region"() ({
      %run_scoped3A = tpu.sem_alloc : memref<!tpu.dma_semaphore, #tpu.memory_space<semaphore_mem>>
      %dma_start3A_17 = tpu.memref_slice %arg3[%add3A_10] : memref<2048xi32, #tpu.memory_space<hbm>> -> memref<32xi32, #tpu.memory_space<hbm>>
      %dma_start3A_18 = tpu.memref_slice %arg3[%add3A_10] : memref<2048xi32, #tpu.memory_space<hbm>> -> memref<32xi32, #tpu.memory_space<hbm>>
      tpu.enqueue_dma source(%dma_start3A_18 : memref<32xi32, #tpu.memory_space<hbm>>) target(%arg5 : memref<32xi32, #tpu.memory_space<vmem>>) target_semaphore(%run_scoped3A : memref<!tpu.dma_semaphore, #tpu.memory_space<semaphore_mem>>)
      %dma_wait3A_19 = tpu.memref_slice %arg3[%add3A_10] : memref<2048xi32, #tpu.memory_space<hbm>> -> memref<32xi32, #tpu.memory_space<hbm>>
      %dma_wait3A_20 = tpu.memref_slice %arg3[%add3A_10] : memref<2048xi32, #tpu.memory_space<hbm>> -> memref<32xi32, #tpu.memory_space<hbm>>
      tpu.wait_dma2 semaphore(%run_scoped3A : memref<!tpu.dma_semaphore, #tpu.memory_space<semaphore_mem>>) src(%dma_wait3A_20 : memref<32xi32, #tpu.memory_space<hbm>>) dst(%arg5 : memref<32xi32, #tpu.memory_space<vmem>>)
      tpu.yield
    }) : () -> ()
    %dma_start3A_11 = arith.constant 0 : i32
    %dma_start3A_12 = arith.constant 0 : i32
    %dma_start3A_13 = tpu.memref_slice %arg2[%dma_start3A_11, %dma_start3A_12] : memref<32000x2048xf32, #tpu.memory_space<hbm>> -> memref<32000x2048xf32, #tpu.memory_space<hbm>>
    tpu.enqueue_indirect_dma source(%dma_start3A_13 : memref<32000x2048xf32, #tpu.memory_space<hbm>>) target(%arg6 : memref<32x2048xf32, #tpu.memory_space<vmem>>) offsets(%arg5 : memref<32xi32, #tpu.memory_space<vmem>>) semaphore(%arg7 : memref<!tpu.dma_semaphore, #tpu.memory_space<semaphore_mem>>)
    %dma_wait3A_14 = arith.constant 0 : i32
    %dma_wait3A_15 = arith.constant 0 : i32
    %dma_wait3A_16 = tpu.memref_slice %arg2[%dma_wait3A_14, %dma_wait3A_15] : memref<32000x2048xf32, #tpu.memory_space<hbm>> -> memref<32000x2048xf32, #tpu.memory_space<hbm>>
    tpu.wait_indirect_dma semaphore(%arg7 : memref<!tpu.dma_semaphore, #tpu.memory_space<semaphore_mem>>) src(%dma_wait3A_16 : memref<32000x2048xf32, #tpu.memory_space<hbm>>) dst(%arg6 : memref<32x2048xf32, #tpu.memory_space<vmem>>)
    "tpu.region"() ({
      %run_scoped3A = tpu.sem_alloc : memref<!tpu.dma_semaphore, #tpu.memory_space<semaphore_mem>>
      %dma_start3A_17 = arith.constant 0 : i32
      %dma_start3A_18 = tpu.memref_slice %arg4[%add3A_10, %dma_start3A_17] : memref<2048x2048xf32, #tpu.memory_space<hbm>> -> memref<32x2048xf32, #tpu.memory_space<hbm>>
      %dma_start3A_19 = arith.constant 0 : i32
      %dma_start3A_20 = tpu.memref_slice %arg4[%add3A_10, %dma_start3A_19] : memref<2048x2048xf32, #tpu.memory_space<hbm>> -> memref<32x2048xf32, #tpu.memory_space<hbm>>
      tpu.enqueue_dma source(%arg6 : memref<32x2048xf32, #tpu.memory_space<vmem>>) target(%dma_start3A_20 : memref<32x2048xf32, #tpu.memory_space<hbm>>) target_semaphore(%run_scoped3A : memref<!tpu.dma_semaphore, #tpu.memory_space<semaphore_mem>>)
      %dma_wait3A_21 = arith.constant 0 : i32
      %dma_wait3A_22 = tpu.memref_slice %arg4[%add3A_10, %dma_wait3A_21] : memref<2048x2048xf32, #tpu.memory_space<hbm>> -> memref<32x2048xf32, #tpu.memory_space<hbm>>
      %dma_wait3A_23 = arith.constant 0 : i32
      %dma_wait3A_24 = tpu.memref_slice %arg4[%add3A_10, %dma_wait3A_23] : memref<2048x2048xf32, #tpu.memory_space<hbm>> -> memref<32x2048xf32, #tpu.memory_space<hbm>>
      tpu.wait_dma2 semaphore(%run_scoped3A : memref<!tpu.dma_semaphore, #tpu.memory_space<semaphore_mem>>) src(%arg6 : memref<32x2048xf32, #tpu.memory_space<vmem>>) dst(%dma_wait3A_24 : memref<32x2048xf32, #tpu.memory_space<hbm>>)
      tpu.yield
    }) : () -> ()
    return
  }
}

module attributes {stable_mosaic.version = 14 : i64} {
  func.func @_head_body(%arg0: i32, %arg1: memref<2048x2048xbf16, #tpu.memory_space<vmem>>, %arg2: memref<1280x2048xf32, #tpu.memory_space<vmem>>, %arg3: memref<2048x1280xf32, #tpu.memory_space<vmem>>) attributes {dimension_semantics = [#tpu.dimension_semantics<arbitrary>], iteration_bounds = array<i64: 25>, scalar_prefetch = 0 : i64, scratch_operands = 0 : i64, tpu.core_type = #tpu.core_type<tc>, window_params = [{pipeline_mode = #tpu.pipeline_mode<synchronous>, transform_indices = @transform_0, window_bounds = array<i64: 2048, 2048>}, {transform_indices = @transform_1, window_bounds = array<i64: 1280, 2048>}, {transform_indices = @transform_2, window_bounds = array<i64: 2048, 1280>}]} {
    %get3A = arith.constant 0 : index
    %get3A_0 = arith.constant 0 : index
    %get3A_1 = vector.load %arg2[%get3A, %get3A_0] : memref<1280x2048xf32, #tpu.memory_space<vmem>>, vector<1280x2048xf32>
    %convert_element_type3A = arith.truncf %get3A_1 : vector<1280x2048xf32> to vector<1280x2048xbf16>
    %get3A_2 = arith.constant 0 : index
    %get3A_3 = arith.constant 0 : index
    %get3A_4 = vector.load %arg1[%get3A_2, %get3A_3] : memref<2048x2048xbf16, #tpu.memory_space<vmem>>, vector<2048x2048xbf16>
    %dot_general3A = arith.constant dense<0.000000e+00> : vector<2048x1280xf32>
    %dot_general3A_5 = tpu.matmul %get3A_4, %convert_element_type3A, %dot_general3A {dimension_numbers = #tpu.dot_dimension_numbers<[1], [1], [0], [0], [0, 0, 1, 0], [], []>, transpose_lhs_hint = false} : vector<2048x2048xbf16>, vector<1280x2048xbf16>, vector<2048x1280xf32> -> vector<2048x1280xf32>
    %swap3A = arith.constant 0 : index
    %swap3A_6 = arith.constant 0 : index
    %swap3A_7 = vector.load %arg3[%swap3A, %swap3A_6] : memref<2048x1280xf32, #tpu.memory_space<vmem>>, vector<2048x1280xf32>
    tpu.vector_store %arg3[%swap3A, %swap3A_6], %dot_general3A_5 {strides = array<i32>} : memref<2048x1280xf32, #tpu.memory_space<vmem>>, vector<2048x1280xf32>,
    return
  }
  func.func @transform_0(%arg0: i32) -> (i32, i32) {
    %c0_i32 = arith.constant 0 : i32
    %c0_i32_0 = arith.constant 0 : i32
    %c0_i32_1 = arith.constant 0 : i32
    return %c0_i32, %c0_i32_0 : i32, i32
  }
  func.func @transform_1(%arg0: i32) -> (i32, i32) {
    %c0_i32 = arith.constant 0 : i32
    %c0_i32_0 = arith.constant 0 : i32
    return %arg0, %c0_i32 : i32, i32
  }
  func.func @transform_2(%arg0: i32) -> (i32, i32) {
    %c0_i32 = arith.constant 0 : i32
    %c0_i32_0 = arith.constant 0 : i32
    return %c0_i32, %arg0 : i32, i32
  }
}

module attributes {stable_mosaic.version = 14 : i64} {
  func.func @body(%arg0: i32, %arg1: i32, %arg2: memref<2xi32, #tpu.memory_space<smem>>, %arg3: memref<2xf32, #tpu.memory_space<smem>>, %arg4: memref<2048x2048xbf16, #tpu.memory_space<vmem>>, %arg5: memref<1x2048x512xf32, #tpu.memory_space<vmem>>, %arg6: memref<1x1x512xf32, #tpu.memory_space<vmem>>, %arg7: memref<1x512x2048xf32, #tpu.memory_space<vmem>>, %arg8: memref<1x1x2048xf32, #tpu.memory_space<vmem>>, %arg9: memref<2048x2048xf32, #tpu.memory_space<vmem>>) attributes {dimension_semantics = [#tpu.dimension_semantics<arbitrary>, #tpu.dimension_semantics<arbitrary>], iteration_bounds = array<i64: 2, 16>, scalar_prefetch = 2 : i64, scratch_operands = 0 : i64, tpu.core_type = #tpu.core_type<tc>, window_params = [{pipeline_mode = #tpu.pipeline_mode<synchronous>, transform_indices = @transform_0, window_bounds = array<i64: 2048, 2048>}, {transform_indices = @transform_1, window_bounds = array<i64: 1, 2048, 512>}, {transform_indices = @transform_2, window_bounds = array<i64: 1, 1, 512>}, {transform_indices = @transform_3, window_bounds = array<i64: 1, 512, 2048>}, {transform_indices = @transform_4, window_bounds = array<i64: 1, 1, 2048>}, {pipeline_mode = #tpu.pipeline_mode<synchronous>, transform_indices = @transform_5, window_bounds = array<i64: 2048, 2048>}]} {
    %get3A = arith.index_cast %arg0 : i32 to index
    %get3A_0 = memref.load %arg3[%get3A] : memref<2xf32, #tpu.memory_space<smem>>
    %get3A_1 = arith.constant 0 : index
    %get3A_2 = arith.constant 0 : index
    %get3A_3 = arith.constant 0 : index
    %get3A_4 = vector.load %arg5[%get3A_1, %get3A_2, %get3A_3] : memref<1x2048x512xf32, #tpu.memory_space<vmem>>, vector<1x2048x512xf32>
    %get3A_5 = vector.shape_cast %get3A_4 : vector<1x2048x512xf32> to vector<2048x512xf32>
    %convert_element_type3A = arith.truncf %get3A_5 : vector<2048x512xf32> to vector<2048x512xbf16>
    %get3A_6 = arith.constant 0 : index
    %get3A_7 = arith.constant 0 : index
    %get3A_8 = vector.load %arg4[%get3A_6, %get3A_7] : memref<2048x2048xbf16, #tpu.memory_space<vmem>>, vector<2048x2048xbf16>
    %dot_general3A = arith.constant dense<0.000000e+00> : vector<2048x512xf32>
    %dot_general3A_9 = tpu.matmul %get3A_8, %convert_element_type3A, %dot_general3A {dimension_numbers = #tpu.dot_dimension_numbers<[1], [0], [0], [1], [0, 0, 1, 1], [], []>, transpose_lhs_hint = false} : vector<2048x2048xbf16>, vector<2048x512xbf16>, vector<2048x512xf32> -> vector<2048x512xf32>
    %get3A_10 = arith.constant 0 : index
    %get3A_11 = arith.constant 0 : index
    %get3A_12 = arith.constant 0 : index
    %get3A_13 = vector.load %arg6[%get3A_10, %get3A_11, %get3A_12] : memref<1x1x512xf32, #tpu.memory_space<vmem>>, vector<1x1x512xf32>
    %get3A_14 = vector.shape_cast %get3A_13 : vector<1x1x512xf32> to vector<1x512xf32>
    %add3A = vector.broadcast %get3A_14 : vector<1x512xf32> to vector<2048x512xf32>
    %add3A_15 = arith.addf %dot_general3A_9, %add3A : vector<2048x512xf32>
    %integer_pow3A = arith.mulf %add3A_15, %add3A_15 : vector<2048x512xf32>
    %integer_pow3A_16 = arith.mulf %add3A_15, %integer_pow3A : vector<2048x512xf32>
    %mul3A = arith.constant 4.471500e-02 : f32
    %mul3A_17 = vector.broadcast %mul3A : f32 to vector<2048x512xf32>
    %mul3A_18 = arith.mulf %mul3A_17, %integer_pow3A_16 : vector<2048x512xf32>
    %add3A_19 = arith.addf %add3A_15, %mul3A_18 : vector<2048x512xf32>
    %mul3A_20 = arith.constant 0.797884583 : f32
    %mul3A_21 = vector.broadcast %mul3A_20 : f32 to vector<2048x512xf32>
    %mul3A_22 = arith.mulf %mul3A_21, %add3A_19 : vector<2048x512xf32>
    %tanh3A = math.tanh %mul3A_22 : vector<2048x512xf32>
    %add3A_23 = arith.constant 1.000000e+00 : f32
    %add3A_24 = vector.broadcast %add3A_23 : f32 to vector<2048x512xf32>
    %add3A_25 = arith.addf %add3A_24, %tanh3A : vector<2048x512xf32>
    %mul3A_26 = arith.constant 5.000000e-01 : f32
    %mul3A_27 = vector.broadcast %mul3A_26 : f32 to vector<2048x512xf32>
    %mul3A_28 = arith.mulf %mul3A_27, %add3A_25 : vector<2048x512xf32>
    %mul3A_29 = arith.mulf %add3A_15, %mul3A_28 : vector<2048x512xf32>
    %mul3A_30 = vector.broadcast %get3A_0 : f32 to vector<2048x512xf32>
    %mul3A_31 = arith.mulf %mul3A_29, %mul3A_30 : vector<2048x512xf32>
    %convert_element_type3A_32 = arith.truncf %mul3A_31 : vector<2048x512xf32> to vector<2048x512xbf16>
    %get3A_33 = arith.constant 0 : index
    %get3A_34 = arith.constant 0 : index
    %get3A_35 = arith.constant 0 : index
    %get3A_36 = vector.load %arg7[%get3A_33, %get3A_34, %get3A_35] : memref<1x512x2048xf32, #tpu.memory_space<vmem>>, vector<1x512x2048xf32>
    %get3A_37 = vector.shape_cast %get3A_36 : vector<1x512x2048xf32> to vector<512x2048xf32>
    %convert_element_type3A_38 = arith.truncf %get3A_37 : vector<512x2048xf32> to vector<512x2048xbf16>
    %dot_general3A_39 = arith.constant dense<0.000000e+00> : vector<2048x2048xf32>
    %dot_general3A_40 = tpu.matmul %convert_element_type3A_32, %convert_element_type3A_38, %dot_general3A_39 {dimension_numbers = #tpu.dot_dimension_numbers<[1], [0], [0], [1], [0, 0, 1, 1], [], []>, transpose_lhs_hint = false} : vector<2048x512xbf16>, vector<512x2048xbf16>, vector<2048x2048xf32> -> vector<2048x2048xf32>
    %eq3A = arith.constant 0 : i32
    %eq3A_41 = arith.cmpi eq, %arg0, %eq3A : i32
    %eq3A_42 = arith.constant 0 : i32
    %eq3A_43 = arith.cmpi eq, %arg1, %eq3A_42 : i32
    %and3A = arith.andi %eq3A_41, %eq3A_43 : i1
    %convert_element_type3A_44 = arith.extui %and3A : i1 to i32
    %cond3A = arith.constant 0 : i32
    %cond3A_45 = arith.cmpi ne, %convert_element_type3A_44, %cond3A : i32
    scf.if %cond3A_45 {
      %get3A_58 = arith.constant 0 : index
      %get3A_59 = arith.constant 0 : index
      %get3A_60 = arith.constant 0 : index
      %get3A_61 = vector.load %arg8[%get3A_58, %get3A_59, %get3A_60] : memref<1x1x2048xf32, #tpu.memory_space<vmem>>, vector<1x1x2048xf32>
      %get3A_62 = vector.shape_cast %get3A_61 : vector<1x1x2048xf32> to vector<1x2048xf32>
      %mul3A_63 = vector.broadcast %get3A_0 : f32 to vector<1x2048xf32>
      %mul3A_64 = arith.mulf %mul3A_63, %get3A_62 : vector<1x2048xf32>
      %add3A_65 = vector.broadcast %mul3A_64 : vector<1x2048xf32> to vector<2048x2048xf32>
      %add3A_66 = arith.addf %dot_general3A_40, %add3A_65 : vector<2048x2048xf32>
      %swap3A = arith.constant 0 : index
      %swap3A_67 = arith.constant 0 : index
      %swap3A_68 = vector.load %arg9[%swap3A, %swap3A_67] : memref<2048x2048xf32, #tpu.memory_space<vmem>>, vector<2048x2048xf32>
      tpu.vector_store %arg9[%swap3A, %swap3A_67], %add3A_66 {strides = array<i32>} : memref<2048x2048xf32, #tpu.memory_space<vmem>>, vector<2048x2048xf32>,
    } else {
    }
    %gt3A = arith.constant 0 : i32
    %gt3A_46 = arith.cmpi sgt, %arg0, %gt3A : i32
    %eq3A_47 = arith.constant 0 : i32
    %eq3A_48 = arith.cmpi eq, %arg1, %eq3A_47 : i32
    %and3A_49 = arith.andi %gt3A_46, %eq3A_48 : i1
    %convert_element_type3A_50 = arith.extui %and3A_49 : i1 to i32
    %cond3A_51 = arith.constant 0 : i32
    %cond3A_52 = arith.cmpi ne, %convert_element_type3A_50, %cond3A_51 : i32
    scf.if %cond3A_52 {
      %get3A_58 = arith.constant 0 : index
      %get3A_59 = arith.constant 0 : index
      %get3A_60 = vector.load %arg9[%get3A_58, %get3A_59] : memref<2048x2048xf32, #tpu.memory_space<vmem>>, vector<2048x2048xf32>
      %get3A_61 = arith.constant 0 : index
      %get3A_62 = arith.constant 0 : index
      %get3A_63 = arith.constant 0 : index
      %get3A_64 = vector.load %arg8[%get3A_61, %get3A_62, %get3A_63] : memref<1x1x2048xf32, #tpu.memory_space<vmem>>, vector<1x1x2048xf32>
      %get3A_65 = vector.shape_cast %get3A_64 : vector<1x1x2048xf32> to vector<1x2048xf32>
      %mul3A_66 = vector.broadcast %get3A_0 : f32 to vector<1x2048xf32>
      %mul3A_67 = arith.mulf %mul3A_66, %get3A_65 : vector<1x2048xf32>
      %add3A_68 = vector.broadcast %mul3A_67 : vector<1x2048xf32> to vector<2048x2048xf32>
      %add3A_69 = arith.addf %dot_general3A_40, %add3A_68 : vector<2048x2048xf32>
      %add3A_70 = arith.addf %get3A_60, %add3A_69 : vector<2048x2048xf32>
      %swap3A = arith.constant 0 : index
      %swap3A_71 = arith.constant 0 : index
      %swap3A_72 = vector.load %arg9[%swap3A, %swap3A_71] : memref<2048x2048xf32, #tpu.memory_space<vmem>>, vector<2048x2048xf32>
      tpu.vector_store %arg9[%swap3A, %swap3A_71], %add3A_70 {strides = array<i32>} : memref<2048x2048xf32, #tpu.memory_space<vmem>>, vector<2048x2048xf32>,
    } else {
    }
    %gt3A_53 = arith.constant 0 : i32
    %gt3A_54 = arith.cmpi sgt, %arg1, %gt3A_53 : i32
    %convert_element_type3A_55 = arith.extui %gt3A_54 : i1 to i32
    %cond3A_56 = arith.constant 0 : i32
    %cond3A_57 = arith.cmpi ne, %convert_element_type3A_55, %cond3A_56 : i32
    scf.if %cond3A_57 {
      %get3A_58 = arith.constant 0 : index
      %get3A_59 = arith.constant 0 : index
      %get3A_60 = vector.load %arg9[%get3A_58, %get3A_59] : memref<2048x2048xf32, #tpu.memory_space<vmem>>, vector<2048x2048xf32>
      %add3A_61 = arith.addf %get3A_60, %dot_general3A_40 : vector<2048x2048xf32>
      %swap3A = arith.constant 0 : index
      %swap3A_62 = arith.constant 0 : index
      %swap3A_63 = vector.load %arg9[%swap3A, %swap3A_62] : memref<2048x2048xf32, #tpu.memory_space<vmem>>, vector<2048x2048xf32>
      tpu.vector_store %arg9[%swap3A, %swap3A_62], %add3A_61 {strides = array<i32>} : memref<2048x2048xf32, #tpu.memory_space<vmem>>, vector<2048x2048xf32>,
    } else {
    }
    return
  }
  func.func @transform_0(%arg0: i32, %arg1: i32, %arg2: memref<2xi32, #tpu.memory_space<smem>>, %arg3: memref<2xf32, #tpu.memory_space<smem>>) -> (i32, i32) {
    %c0_i32 = arith.constant 0 : i32
    %c0_i32_0 = arith.constant 0 : i32
    %c0_i32_1 = arith.constant 0 : i32
    return %c0_i32, %c0_i32_0 : i32, i32
  }
  func.func @transform_1(%arg0: i32, %arg1: i32, %arg2: memref<2xi32, #tpu.memory_space<smem>>, %arg3: memref<2xf32, #tpu.memory_space<smem>>) -> (i32, i32, i32) {
    %get3A = arith.index_cast %arg0 : i32 to index
    %get3A_0 = memref.load %arg2[%get3A] : memref<2xi32, #tpu.memory_space<smem>>
    %c0_i32 = arith.constant 0 : i32
    %c0_i32_1 = arith.constant 0 : i32
    return %get3A_0, %c0_i32, %arg1 : i32, i32, i32
  }
  func.func @transform_2(%arg0: i32, %arg1: i32, %arg2: memref<2xi32, #tpu.memory_space<smem>>, %arg3: memref<2xf32, #tpu.memory_space<smem>>) -> (i32, i32, i32) {
    %get3A = arith.index_cast %arg0 : i32 to index
    %get3A_0 = memref.load %arg2[%get3A] : memref<2xi32, #tpu.memory_space<smem>>
    %c0_i32 = arith.constant 0 : i32
    %c0_i32_1 = arith.constant 0 : i32
    return %get3A_0, %c0_i32, %arg1 : i32, i32, i32
  }
  func.func @transform_3(%arg0: i32, %arg1: i32, %arg2: memref<2xi32, #tpu.memory_space<smem>>, %arg3: memref<2xf32, #tpu.memory_space<smem>>) -> (i32, i32, i32) {
    %get3A = arith.index_cast %arg0 : i32 to index
    %get3A_0 = memref.load %arg2[%get3A] : memref<2xi32, #tpu.memory_space<smem>>
    %c0_i32 = arith.constant 0 : i32
    %c0_i32_1 = arith.constant 0 : i32
    return %get3A_0, %arg1, %c0_i32 : i32, i32, i32
  }
  func.func @transform_4(%arg0: i32, %arg1: i32, %arg2: memref<2xi32, #tpu.memory_space<smem>>, %arg3: memref<2xf32, #tpu.memory_space<smem>>) -> (i32, i32, i32) {
    %get3A = arith.index_cast %arg0 : i32 to index
    %get3A_0 = memref.load %arg2[%get3A] : memref<2xi32, #tpu.memory_space<smem>>
    %c0_i32 = arith.constant 0 : i32
    %c0_i32_1 = arith.constant 0 : i32
    %c0_i32_2 = arith.constant 0 : i32
    return %get3A_0, %c0_i32, %c0_i32_1 : i32, i32, i32
  }
  func.func @transform_5(%arg0: i32, %arg1: i32, %arg2: memref<2xi32, #tpu.memory_space<smem>>, %arg3: memref<2xf32, #tpu.memory_space<smem>>) -> (i32, i32) {
    %c0_i32 = arith.constant 0 : i32
    %c0_i32_0 = arith.constant 0 : i32
    %c0_i32_1 = arith.constant 0 : i32
    return %c0_i32, %c0_i32_0 : i32, i32
  }
}

</mosaic_0001>

<sc_bundles>
// kernel: kernel.5.cloned.1.call-start
scs
__scs_entry_jumppad:
0x0: {  	(pc) =	sbr.rel $0x88, $3  }
0x1: {  	(tag) =	ssettag $0x0;
	lr =	simm.s32 $0x1  }
0x2: {  	[smem:$0x3F99] =	sst lr;
	_ =	strace $0xD0000000  }
0x3: {  	_ = 	snop  }
0x4: {  	_ = 	snop  }
0x5: {  	_ = 	snop  }
0x6: {  	_ = 	snop  }
0x7: {  	_ = 	snop  }
__scs_overlays_trampoline_lowered:
0x8: {  	[smem:$0x3FA8] =	sst s0  }
0x9: {  	[smem:$0x3FA9] =	sst s1  }
0xa: {  	[smem:$0x3FAA] =	sst s2  }
0xb: {  	[smem:$0x3FAB] =	sst s3  }
0xc: {  	[smem:$0x3FAC] =	sst s4  }
0xd: {  	[smem:$0x3FAD] =	sst s5  }
0xe: {  	[smem:$0x3FAE] =	sst s6  }
0xf: {  	[smem:$0x3FAF] =	sst s7  }
0x10: {  	[smem:$0x3FB0] =	sst s8  }
0x11: {  	[smem:$0x3FB1] =	sst s9;
	s0 =	simm.s32 @!p0 $0x0  }
0x12: {  	s1 =	sld [smem:$0x3F97];
	s0 =	simm.s32 @p0 $0x1  }
0x13: {  	[smem:$0x3FB2] =	sst s0;
	s0 =	simm.s32 @!p1 $0x0  }
0x14: {  	s2 =	sld [smem:$0x3F96];
	s0 =	simm.s32 @p1 $0x1  }
0x15: {  	[smem:$0x3FB3] =	sst s0;
	s0 =	simm.s32 @!p2 $0x0  }
0x16: {  	s3 =	sld [smem:$0x3FDB];
	s0 =	simm.s32 @p2 $0x1  }
0x17: {  	s4 =	simm.s32 $0x1BF5;
	[smem:$0x3FB5] =	sst s0  }
0x18: {  	s0 =	sld [smem:$0x3F98];
	_ =	swait.ge [sflag:s4], $0x0  }
0x19: {  	s7 =	sld [smem:$0x3F99]  }
0x1a: {  	s8 =	sadd.s32 $0xFFFFE003, lr  }
0x1b: {  	s9 =	sadd.s32 $0xFFFFFEF7, lr;
	s5 =	simm.s32 $0xFFFFFFFF;
	p2 =	slt.u32 s8, $0xFFFFF086  }
0x1c: {  	p1 =	slt.u32 s9, $0xF7A;
	s5 =	simm.s32 @!p2 $0x0  }
0x1d: {  	s5 =	simm.s32 @p1 $0x1;
	p0 =	seq.s32 s7, s2  }
0x1e: {  	s7 =	smul.u32 @!p0 $0xF7A, s2;
	p2 =	seq.s32 @!p0 s5, $0x0  }
0x1f: {  	s9 =	smul.u32 $0xF7A, s1;
	s8 =	simm.s32 @!p0 $0x1BF5;
	p2 =	por !p2, p0  }
0x20: {  	[sflag:s8] =	ssyncset.s32 @!p0 $0xFFFFF086;
	s6 =	sadd.s32 @!p0 s3, s7;
	s7 =	simm.s32 @!p0 $0x108  }
0x21: {  	s3 =	sadd.s32 s3, s9;
	s6 =	sadd.s32 @!p0 $0x88, s6;
	s7 =	simm.s32 @p2 $0x1082  }
0x22: {  	[simem:s7], [sflag:s8] =	dma.local @!p0 [hbm:s6], $0xF7A  }
0x23: {  	s9 =	sor.u32 $0xD0000000, s2;
	s6 =	simm.s32 $0x108;
	_ =	swait.ge @!p0 [sflag:s8], $0x0  }
0x24: {  	s3 =	sadd.s32 $0x88, s3;
	s6 =	simm.s32 @!p1 $0x1082;
	[sflag:s4] =	ssyncset.s32 $0xFFFFF086  }
0x25: {  	[simem:s6], [sflag:s4] =	dma.local [hbm:s3], $0xF7A  }
0x26: {  	[smem:$0x3F99] =	sst s1;
	(tag) =	ssettag s2;
	_ =	strace s9  }
0x27: {  	s1 =	sld [smem:$0x3FA9]  }
0x28: {  	s2 =	sld [smem:$0x3FAA]  }
0x29: {  	s4 =	sld [smem:$0x3FAC]  }
0x2a: {  	p0 =	seq.s32 s5, $0x0;
	s5 =	sld [smem:$0x3FAD]  }
0x2b: {  	s6 =	sld [smem:$0x3FAE]  }
0x2c: {  	s7 =	sld [smem:$0x3FAF]  }
0x2d: {  	s3 =	simm.s32 $0x108;
	s8 =	sld [smem:$0x3FB0]  }
0x2e: {  	s3 =	simm.s32 @!p0 $0x1082;
	s9 =	sld [smem:$0x3FB1]  }
0x2f: {  	lr =	sadd.s32 s0, s3;
	s0 =	sld [smem:$0x3FA8]  }
0x30: {  	s3 =	sld [smem:$0x3FAB]  }
0x31: {  	[smem:$0x3FB4] =	sst s10  }
0x32: {  	s10 =	sld [smem:$0x3FB2];
	_ =	sdelay $0x3  }
0x33: {  	p0 =	seq.s32 s10, $0x1;
	s10 =	sld [smem:$0x3FB4];
	_ =	sdelay $0x3  }
0x34: {  	[smem:$0x3FB4] =	sst s10  }
0x35: {  	s10 =	sld [smem:$0x3FB3];
	_ =	sdelay $0x3  }
0x36: {  	p1 =	seq.s32 s10, $0x1;
	s10 =	sld [smem:$0x3FB4];
	_ =	sdelay $0x3  }
0x37: {  	[smem:$0x3FB4] =	sst s10  }
0x38: {  	s10 =	sld [smem:$0x3FB5]  }
0x39: {  	_ = 	snop;
	(pc) =	sbr.ind lr, $3  }
0x3a: {  	_ = 	snop  }
0x3b: {  	_ = 	snop  }
0x3c: {  	p2 =	seq.s32 s10, $0x1;
	s10 =	sld [smem:$0x3FB4]  }
0x3d: {  	_ =	shalt  }
0x3e: {  	_ =	shalt  }
0x3f: {  	_ =	shalt  }
0x40: {  	_ =	shalt  }
0x41: {  	_ =	shalt  }
0x42: {  	_ =	shalt  }
0x43: {  	_ =	shalt  }
0x44: {  	_ =	shalt  }
0x45: {  	_ =	shalt  }
0x46: {  	_ =	shalt  }
0x47: {  	_ =	shalt  }
0x48: {  	_ =	shalt  }
0x49: {  	_ =	shalt  }
0x4a: {  	_ =	shalt  }
0x4b: {  	_ =	shalt  }
0x4c: {  	_ =	shalt  }
0x4d: {  	_ =	shalt  }
0x4e: {  	_ =	shalt  }
0x4f: {  	_ =	shalt  }
0x50: {  	_ =	shalt  }
0x51: {  	_ =	shalt  }
0x52: {  	_ =	shalt  }
0x53: {  	_ =	shalt  }
0x54: {  	_ =	shalt  }
0x55: {  	_ =	shalt  }
0x56: {  	_ =	shalt  }
0x57: {  	_ =	shalt  }
0x58: {  	_ =	shalt  }
0x59: {  	_ =	shalt  }
0x5a: {  	_ =	shalt  }
0x5b: {  	_ =	shalt  }
0x5c: {  	_ =	shalt  }
0x5d: {  	_ =	shalt  }
0x5e: {  	_ =	shalt  }
0x5f: {  	_ =	shalt  }
0x60: {  	_ =	shalt  }
0x61: {  	_ =	shalt  }
0x62: {  	_ =	shalt  }
0x63: {  	_ =	shalt  }
0x64: {  	_ =	shalt  }
0x65: {  	_ =	shalt  }
0x66: {  	_ =	shalt  }
0x67: {  	_ =	shalt  }
0x68: {  	_ =	shalt  }
0x69: {  	_ =	shalt  }
0x6a: {  	_ =	shalt  }
0x6b: {  	_ =	shalt  }
0x6c: {  	_ =	shalt  }
0x6d: {  	_ =	shalt  }
0x6e: {  	_ =	shalt  }
0x6f: {  	_ =	shalt  }
0x70: {  	_ =	shalt  }
0x71: {  	_ =	shalt  }
0x72: {  	_ =	shalt  }
0x73: {  	_ =	shalt  }
0x74: {  	_ =	shalt  }
0x75: {  	_ =	shalt  }
0x76: {  	_ =	shalt  }
0x77: {  	_ =	shalt  }
0x78: {  	_ =	shalt  }
0x79: {  	_ =	shalt  }
0x7a: {  	_ =	shalt  }
0x7b: {  	_ =	shalt  }
0x7c: {  	_ =	shalt  }
0x7d: {  	_ =	shalt  }
0x7e: {  	_ =	shalt  }
0x7f: {  	_ =	shalt  }
0x80: {  	_ =	shalt  }
0x81: {  	_ =	shalt  }
0x82: {  	_ =	shalt  }
0x83: {  	_ =	shalt  }
0x84: {  	_ =	shalt  }
0x85: {  	_ =	shalt  }
0x86: {  	_ =	shalt  }
0x87: {  	_ =	shalt  }
.Lfunc_end0:
.L_simem_size_0:
called_computation_lowered:
.L_overlay_start_0:
0x88: {  	s2 =	sld [smem:$0x3FD9]  }
0x89: {  	s3 =	sld [smem:$0x3FFE];
	_ =	sdelay $0x1  }
0x8a: {  	s1 =	srdreg.scid  }
0x8b: {  	s0 =	sand.u32 $0x1, s1  }
0x8c: {  	s18 =	sshll.u32 s0, $0xA;
	s2 =	sadd.s32 s3, s2  }
0x8d: {  	s2 =	sadd.s32 s2, s18  }
0x8e: {  	[smem:$0x3FC0] =	sst s2  }
0x8f: {  	_ = 	snop  }
0x90: {  	s2 =	sld [smem:$0x3FC9]  }
0x91: {  	s19 =	sld [smem:$0x3FC8]  }
0x92: {  	s4 =	sld [smem:$0x3FD0];
	(tm) =	ssettm $0x1  }
0x93: {  	s5 =	sld [smem:$0x3FFB];
	_ =	sdelay $0x3  }
0x94: {  	_ =	strace s5  }
0x95: {  	s5 =	sld [smem:$0x3FFC];
	_ =	sdelay $0x3  }
0x96: {  	_ =	strace s5  }
0x97: {  	s5 =	sld [smem:$0x3FFD];
	_ =	sdelay $0x3  }
0x98: {  	_ =	strace s5  }
0x99: {  	_ =	strace $0x8FFFFFFF  }
0x9a: {  	s20 =	sld [smem:$0x3FDB];
	_ =	sdelay $0x1  }
0x9b: {  	s6 =	simm.s32 $_scs_section_size  }
0x9c: {  	s7 =	simm.s32 $_size__tile_overlayer_lowered;
	s8 =	simm.s32 $_tile_overlayer_lowered  }
0x9d: {  	s23 =	simm.s32 $0x1BFF;
	s22 =	sshll.u32 s8, $0x1;
	s5 =	sadd.s32 s6, s20  }
0x9e: {  	s9 =	simm.s32 $0x0;
	s21 =	sshll.u32 s7, $0x1;
	s7 =	sadd.s32 s22, s5  }
0x9f: {  	[timem:s9], [sflag:s23] =	dma.local [hbm:s7], s21  }
0xa0: {  	_ =	swait.ge [sflag:s23], s21  }
0xa1: {  	s6 =	ssub.s32 $0x0, s21;
	[sflag:s23] =	ssyncset.done $0x0  }
0xa2: {  	[sflag:s23] =	ssyncadd.s32 s6;
	_ =	sdelay $0x1  }
0xa3: {  	s24 =	simm.s32 $0x1B8B  }
0xa4: {  	_ =	swait.ge [sflag:s24], $0x1  }
0xa5: {  	[sflag:s24] =	ssyncset.done $0x0  }
0xa6: {  	s25 =	simm.s32 $0x1B8E;
	[sflag:s24] =	ssyncadd.s32 $0xFFFFFFFF  }
0xa7: {  	s26 =	simm.s32 $execute0_lowered;
	[smem:$0x3FD2] =	sst s25  }
0xa8: {  	s6 =	sshll.u32 s26, $0x1;
	_ =	strace $0x80000046;
	[dreg:$0x1] =	wrdreg $0xFFFFFFFF  }
0xa9: {  	s28 =	simm.s32 $_size_execute0_lowered;
	s5 =	sadd.s32 s5, s6;
	[dreg:$0x0] =	wrdreg $0x0  }
0xaa: {  	s6 =	sshll.u32 s28, $0x1;
	[dreg:$0x2] =	wrdreg s5  }
0xab: {  	[dreg:$0x3] =	wrdreg s6  }
0xac: {  	[dreg:$0x4] =	wrdreg $0xC0  }
0xad: {  	_ =	task [dreg:s9], $0x5FFFF  }
0xae: {  	[dreg:$0x1] =	wrdreg $0xFFFFFFFF  }
0xaf: {  	[dreg:$0x0] =	wrdreg $0x60  }
0xb0: {  	[dreg:$0x2] =	wrdreg s19  }
0xb1: {  	[dreg:$0x3] =	wrdreg s2  }
0xb2: {  	[dreg:$0x4] =	wrdreg s4  }
0xb3: {  	[dreg:$0x5] =	wrdreg $0x9  }
0xb4: {  	_ =	task.clear_ibuf [dreg:s9], $0x6FFFF;
	_ =	strace $0x90000046  }
0xb5: {  	s29 =	simm.s32 $0x9;
	_ =	strace $0x80000048  }
0xb6: {  	_ =	swait.ge [sflag:s29], $0x1  }
0xb7: {  	[sflag:s29] =	ssyncadd.s32 $0xFFFFFFFF  }
0xb8: {  	_ =	strace $0x90000048  }
0xb9: {  	_ =	sfence  }
0xba: {  	s30 =	sld [smem:$0x0];
	_ =	sdelay $0x2  }
0xbb: {  	s31 =	sshll.u32 s1, $0xD;
	s1 =	sshrl.u32 s1, $0x2  }
0xbc: {  	s3 =	sand.u32 $0x4000, s31;
	s1 =	sadd.s32 s1, s30  }
0xbd: {  	s0 =	sor.u32 s3, s0;
	s1 =	sshll.u32 s1, $0x11  }
0xbe: {  	s0 =	sor.u32 s1, s0  }
0xbf: {  	s0 =	sadd.s32 $0x8F2B, s0  }
0xc0: {  	[sflag:s0] =	ssyncadd.remote.s32 $0x1  }
0xc1: {  	_ =	sfence.sel $0xFFFF  }
0xc2: {  	[dreg:$0x0] =	wrdreg $0xFFFFFFFF;
	(pc) =	sbr.abs _section_cstart, $3  }
0xc3: {  	[dreg:$0x1] =	wrdreg $0xFFFFFFFF  }
0xc4: {  	_ =	task.clear_ibuf [dreg:s9], $0x2FFFF;
	_ =	strace $0x9FFFFFFF  }
0xc5: {  	(tm) =	ssettm $0x7FFFFFFF  }
tec
execute0_lowered:
.L_overlay_start_1:
0x0: {  	(tag) =	ssettag $0x1  }
0x1: {  	s1 =	rddreg [dreg:$0x0]  }
0x2: {  	s0 =	srdreg.scid;
	s2 =	rddreg [dreg:$0x1]  }
0x3: {  	s3 =	stileid.u32;
	s11 =	rddreg [dreg:$0x2];
	s29 =	simm.s32 $0x880  }
0x4: {  	s30 =	simm.s32 $0x1080;
	s31 =	simm.s32 $0x1880;
	s14 =	simm.s32 $0x3080  }
0x5: {  	s15 =	simm.s32 $0x3880;
	s16 =	simm.s32 $0x4080;
	s17 =	simm.s32 $0x4880  }
0x6: {  	s18 =	simm.s32 $0x5080;
	s19 =	simm.s32 $0x5880;
	s20 =	simm.s32 $0x6080  }
0x7: {  	s21 =	simm.s32 $0x6880;
	s22 =	simm.s32 $0x7080;
	s23 =	simm.s32 $0x7880  }
0x8: {  	s24 =	simm.s32 $0x8080;
	s25 =	simm.s32 $0x8880;
	s0 =	sand.u32 $0x1, s0  }
0x9: {  	s4 =	sshll.u32 s3, $0x7;
	s3 =	simm.s32 $0x0;
	s6 =	sadd.s32 $0x300, s1  }
0xa: {  	s7 =	sadd.s32 $0x400, s1;
	s8 =	sadd.s32 $0x500, s1;
	s5 =	sshll.u32 s0, $0x6  }
0xb: {  	[smem:$0x7FF] =	sst s3;
	s0 =	ssub.s32 $0x2, s0;
	s9 =	sor.u32 s5, s4  }
0xc: {  	_ =	strace $0x80000047;
	s26 =	sshrl.u32 s0, $0x1;
	s5 =	sadd.s32 $0x200, s1  }
0xd: {  	s4 =	sshrl.u32 s9, $0x3;
	s0 =	ssub.s32 s0, s26;
	s10 =	sshll.u32 s9, $0x8  }
0xe: {  	s12 =	sor.u32 $0x20, s9;
	s9 =	sadd.s32 $0x600, s1;
	s26 =	simm.s32 $0x1  }
0xf: {  	s4 =	sadd.s32 s2, s4;
	s10 =	sadd.s32 s11, s10;
	s13 =	sshrl.u32 s12, $0x3  }
0x10: {  	s12 =	sshll.u32 s12, $0x8;
	[dreg:$0x4] =	wrdreg s4;
	s4 =	sadd.s32 $0x100, s1  }
0x11: {  	v2 =	vlaneseq.u32;
	[dreg:$0x5] =	wrdreg s10;
	s2 =	sadd.s32 s2, s13;
	s10 =	sadd.s32 $0x700, s1  }
0x12: {  	vm0 =	vmmov $0xffff;
	v1 =	vshrl.u32 v2, $0x3;
	s28 =	sadd.s32 s11, s12;
	s11 =	smax.u32 s0, $0x1;
	[dreg:$0x6] =	wrdreg s2  }
0x13: {  	v0 =	vand.u32 $0x7, v2;
	v2 =	vor.u32 $0x8, v2;
	v1 =	vmul.u32 $0x8, v1;
	s12 =	simm.s32 $0x2;
	s0 =	simm.s32 $0x80;
	[dreg:$0x7] =	wrdreg s28  }
.LBB2_1:
0x14: {  	s28 =	rddreg [dreg:$0x4]  }
0x15: {  	[tilespmem:s3], [sflag:$0x2] =	stream.linear.gather [hbm4b:s28+s3], $0x20, $0x38;
	[tilespmem:$0x10080] =	vst v63  }
0x16: {  	_ =	swait.ge [sflag:s12], $0x20  }
0x17: {  	[sflag:s12] =	ssyncset.done $0x0  }
0x18: {  	[sflag:s12] =	ssyncadd.s32 $0xFFFFFFE0  }
0x19: {  	v3 =	vld [tilespmem:$0x0];
	_ =	sdelay $0x4  }
0x1a: {  	v4 =	vshll.u32 v3, $0x4  }
0x1b: {  	v3 =	vand.u32 $0x7, v3;
	v4 =	vand.u32 $0xFFFFFF80, v4  }
0x1c: {  	v3 =	vor.u32 v3, v4  }
0x1d: {  	v4 =	vperm.xlane v3, v0;
	_ =	sdelay $0x1  }
0x1e: {  	v4 =	vadd.s32 v1, v4;
	_ =	sdelay $0x4  }
0x1f: {  	[tilespmem:s0], [sflag:$0x1] =	stream.indirect_vreg.gather [hbm4b:s1+s3], $0x80, v4, vm0, $0xb8;
	[tilespmem:$0x10080] =	vst v63  }
0x20: {  	_ = 	snop  }
0x21: {  	[tilespmem:s29], [sflag:$0x1] =	stream.indirect_vreg.gather [hbm4b:s4+s3], $0x80, v4, vm0, $0xb8;
	[tilespmem:$0x10080] =	vst v63  }
0x22: {  	_ = 	snop  }
0x23: {  	[tilespmem:s30], [sflag:$0x1] =	stream.indirect_vreg.gather [hbm4b:s5+s3], $0x80, v4, vm0, $0xb8;
	[tilespmem:$0x10080] =	vst v63  }
0x24: {  	_ = 	snop  }
0x25: {  	[tilespmem:s31], [sflag:$0x1] =	stream.indirect_vreg.gather [hbm4b:s6+s3], $0x80, v4, vm0, $0xb8;
	[tilespmem:$0x10080] =	vst v63  }
0x26: {  	s2 =	simm.s32 $0x2080  }
0x27: {  	[tilespmem:s2], [sflag:$0x1] =	stream.indirect_vreg.gather [hbm4b:s7+s3], $0x80, v4, vm0, $0xb8;
	[tilespmem:$0x10080] =	vst v63  }
0x28: {  	s13 =	simm.s32 $0x2880;
	v3 =	vperm.xlane v3, v2  }
0x29: {  	[tilespmem:s13], [sflag:$0x1] =	stream.indirect_vreg.gather [hbm4b:s8+s3], $0x80, v4, vm0, $0xb8;
	[tilespmem:$0x10080] =	vst v63  }
0x2a: {  	v3 =	vadd.s32 v1, v3  }
0x2b: {  	[tilespmem:s14], [sflag:$0x1] =	stream.indirect_vreg.gather [hbm4b:s9+s3], $0x80, v4, vm0, $0xb8;
	[tilespmem:$0x10080] =	vst v63  }
0x2c: {  	_ = 	snop  }
0x2d: {  	[tilespmem:s15], [sflag:$0x1] =	stream.indirect_vreg.gather [hbm4b:s10+s3], $0x80, v4, vm0, $0xb8;
	[tilespmem:$0x10080] =	vst v63  }
0x2e: {  	_ = 	snop  }
0x2f: {  	[tilespmem:s16], [sflag:$0x1] =	stream.indirect_vreg.gather [hbm4b:s1+s3], $0x80, v3, vm0, $0xb8;
	[tilespmem:$0x10080] =	vst v63  }
0x30: {  	_ = 	snop  }
0x31: {  	[tilespmem:s17], [sflag:$0x1] =	stream.indirect_vreg.gather [hbm4b:s4+s3], $0x80, v3, vm0, $0xb8;
	[tilespmem:$0x10080] =	vst v63  }
0x32: {  	_ = 	snop  }
0x33: {  	[tilespmem:s18], [sflag:$0x1] =	stream.indirect_vreg.gather [hbm4b:s5+s3], $0x80, v3, vm0, $0xb8;
	[tilespmem:$0x10080] =	vst v63  }
0x34: {  	_ = 	snop  }
0x35: {  	[tilespmem:s19], [sflag:$0x1] =	stream.indirect_vreg.gather [hbm4b:s6+s3], $0x80, v3, vm0, $0xb8;
	[tilespmem:$0x10080] =	vst v63  }
0x36: {  	_ = 	snop  }
0x37: {  	[tilespmem:s20], [sflag:$0x1] =	stream.indirect_vreg.gather [hbm4b:s7+s3], $0x80, v3, vm0, $0xb8;
	[tilespmem:$0x10080] =	vst v63  }
0x38: {  	_ = 	snop  }
0x39: {  	[tilespmem:s21], [sflag:$0x1] =	stream.indirect_vreg.gather [hbm4b:s8+s3], $0x80, v3, vm0, $0xb8;
	[tilespmem:$0x10080] =	vst v63  }
0x3a: {  	_ = 	snop  }
0x3b: {  	[tilespmem:s22], [sflag:$0x1] =	stream.indirect_vreg.gather [hbm4b:s9+s3], $0x80, v3, vm0, $0xb8;
	[tilespmem:$0x10080] =	vst v63  }
0x3c: {  	_ = 	snop  }
0x3d: {  	[tilespmem:s23], [sflag:$0x1] =	stream.indirect_vreg.gather [hbm4b:s10+s3], $0x80, v3, vm0, $0xb8;
	[tilespmem:$0x10080] =	vst v63  }
0x3e: {  	v3 =	vld [tilespmem:$0x10];
	_ =	sdelay $0x4  }
0x3f: {  	v61 =	vshll.u32 v3, $0x4  }
0x40: {  	v3 =	vand.u32 $0x7, v3;
	v4 =	vand.u32 $0xFFFFFF80, v61  }
0x41: {  	v3 =	vor.u32 v3, v4  }
0x42: {  	v4 =	vperm.xlane v3, v0;
	_ =	sdelay $0x1  }
0x43: {  	v4 =	vadd.s32 v1, v4;
	_ =	sdelay $0x4  }
0x44: {  	[tilespmem:s24], [sflag:$0x1] =	stream.indirect_vreg.gather [hbm4b:s1+s3], $0x80, v4, vm0, $0xb8;
	[tilespmem:$0x10080] =	vst v63  }
0x45: {  	_ = 	snop  }
0x46: {  	[tilespmem:s25], [sflag:$0x1] =	stream.indirect_vreg.gather [hbm4b:s4+s3], $0x80, v4, vm0, $0xb8;
	[tilespmem:$0x10080] =	vst v63  }
0x47: {  	s13 =	simm.s32 $0x9080  }
0x48: {  	[tilespmem:s13], [sflag:$0x1] =	stream.indirect_vreg.gather [hbm4b:s5+s3], $0x80, v4, vm0, $0xb8;
	[tilespmem:$0x10080] =	vst v63  }
0x49: {  	s28 =	simm.s32 $0x9880  }
0x4a: {  	[tilespmem:s28], [sflag:$0x1] =	stream.indirect_vreg.gather [hbm4b:s6+s3], $0x80, v4, vm0, $0xb8;
	[tilespmem:$0x10080] =	vst v63  }
0x4b: {  	s28 =	simm.s32 $0xA080  }
0x4c: {  	[tilespmem:s28], [sflag:$0x1] =	stream.indirect_vreg.gather [hbm4b:s7+s3], $0x80, v4, vm0, $0xb8;
	[tilespmem:$0x10080] =	vst v63  }
0x4d: {  	v3 =	vperm.xlane v3, v2;
	s28 =	simm.s32 $0xA880  }
0x4e: {  	[tilespmem:s28], [sflag:$0x1] =	stream.indirect_vreg.gather [hbm4b:s8+s3], $0x80, v4, vm0, $0xb8;
	[tilespmem:$0x10080] =	vst v63  }
0x4f: {  	v3 =	vadd.s32 v1, v3;
	s28 =	simm.s32 $0xB080  }
0x50: {  	[tilespmem:s28], [sflag:$0x1] =	stream.indirect_vreg.gather [hbm4b:s9+s3], $0x80, v4, vm0, $0xb8;
	[tilespmem:$0x10080] =	vst v63  }
0x51: {  	s28 =	simm.s32 $0xB880  }
0x52: {  	[tilespmem:s28], [sflag:$0x1] =	stream.indirect_vreg.gather [hbm4b:s10+s3], $0x80, v4, vm0, $0xb8;
	[tilespmem:$0x10080] =	vst v63  }
0x53: {  	s28 =	simm.s32 $0xC080  }
0x54: {  	[tilespmem:s28], [sflag:$0x1] =	stream.indirect_vreg.gather [hbm4b:s1+s3], $0x80, v3, vm0, $0xb8;
	[tilespmem:$0x10080] =	vst v63  }
0x55: {  	s28 =	simm.s32 $0xC880  }
0x56: {  	[tilespmem:s28], [sflag:$0x1] =	stream.indirect_vreg.gather [hbm4b:s4+s3], $0x80, v3, vm0, $0xb8;
	[tilespmem:$0x10080] =	vst v63  }
0x57: {  	s28 =	simm.s32 $0xD080  }
0x58: {  	[tilespmem:s28], [sflag:$0x1] =	stream.indirect_vreg.gather [hbm4b:s5+s3], $0x80, v3, vm0, $0xb8;
	[tilespmem:$0x10080] =	vst v63  }
0x59: {  	s28 =	simm.s32 $0xD880  }
0x5a: {  	[tilespmem:s28], [sflag:$0x1] =	stream.indirect_vreg.gather [hbm4b:s6+s3], $0x80, v3, vm0, $0xb8;
	[tilespmem:$0x10080] =	vst v63  }
0x5b: {  	s28 =	simm.s32 $0xE080  }
0x5c: {  	[tilespmem:s28], [sflag:$0x1] =	stream.indirect_vreg.gather [hbm4b:s7+s3], $0x80, v3, vm0, $0xb8;
	[tilespmem:$0x10080] =	vst v63  }
0x5d: {  	s28 =	simm.s32 $0xE880  }
0x5e: {  	[tilespmem:s28], [sflag:$0x1] =	stream.indirect_vreg.gather [hbm4b:s8+s3], $0x80, v3, vm0, $0xb8;
	[tilespmem:$0x10080] =	vst v63  }
0x5f: {  	s28 =	simm.s32 $0xF080  }
0x60: {  	[tilespmem:s28], [sflag:$0x1] =	stream.indirect_vreg.gather [hbm4b:s9+s3], $0x80, v3, vm0, $0xb8;
	[tilespmem:$0x10080] =	vst v63  }
0x61: {  	s28 =	simm.s32 $0xF880  }
0x62: {  	[tilespmem:s28], [sflag:$0x1] =	stream.indirect_vreg.gather [hbm4b:s10+s3], $0x80, v3, vm0, $0xb8;
	[tilespmem:$0x10080] =	vst v63  }
0x63: {  	_ =	swait.ge [sflag:s26], $0x10000  }
0x64: {  	[sflag:s26] =	ssyncset.done $0x0  }
0x65: {  	s28 =	rddreg [dreg:$0x5];
	[sflag:s26] =	ssyncadd.s32 $0xFFFF0000  }
0x66: {  	[hbm4b:s28+s3] =	stream.linear.scatter [tilespmem:s0], [sflag:$0x2], $0x10000, $0x38;
	[tilespmem:$0x10080] =	vst v63  }
0x67: {  	_ =	swait.ge [sflag:s12], $0x10000  }
0x68: {  	[sflag:s12] =	ssyncset.done $0x0  }
0x69: {  	s28 =	rddreg [dreg:$0x6];
	[sflag:s12] =	ssyncadd.s32 $0xFFFF0000  }
0x6a: {  	[tilespmem:s3], [sflag:$0x2] =	stream.linear.gather [hbm4b:s28+s3], $0x20, $0x38;
	[tilespmem:$0x10080] =	vst v63  }
0x6b: {  	_ =	swait.ge [sflag:s12], $0x20  }
0x6c: {  	[sflag:s12] =	ssyncset.done $0x0  }
0x6d: {  	[sflag:s12] =	ssyncadd.s32 $0xFFFFFFE0  }
0x6e: {  	v3 =	vld [tilespmem:$0x0];
	_ =	sdelay $0x4  }
0x6f: {  	v62 =	vshll.u32 v3, $0x4  }
0x70: {  	v3 =	vand.u32 $0x7, v3;
	v4 =	vand.u32 $0xFFFFFF80, v62  }
0x71: {  	v3 =	vor.u32 v3, v4  }
0x72: {  	v4 =	vperm.xlane v3, v0;
	_ =	sdelay $0x1  }
0x73: {  	v4 =	vadd.s32 v1, v4;
	_ =	sdelay $0x4  }
0x74: {  	[tilespmem:s0], [sflag:$0x1] =	stream.indirect_vreg.gather [hbm4b:s1+s3], $0x80, v4, vm0, $0xb8;
	[tilespmem:$0x10080] =	vst v63  }
0x75: {  	_ = 	snop  }
0x76: {  	[tilespmem:s29], [sflag:$0x1] =	stream.indirect_vreg.gather [hbm4b:s4+s3], $0x80, v4, vm0, $0xb8;
	[tilespmem:$0x10080] =	vst v63  }
0x77: {  	_ = 	snop  }
0x78: {  	[tilespmem:s30], [sflag:$0x1] =	stream.indirect_vreg.gather [hbm4b:s5+s3], $0x80, v4, vm0, $0xb8;
	[tilespmem:$0x10080] =	vst v63  }
0x79: {  	_ = 	snop  }
0x7a: {  	[tilespmem:s31], [sflag:$0x1] =	stream.indirect_vreg.gather [hbm4b:s6+s3], $0x80, v4, vm0, $0xb8;
	[tilespmem:$0x10080] =	vst v63  }
0x7b: {  	_ = 	snop  }
0x7c: {  	[tilespmem:s2], [sflag:$0x1] =	stream.indirect_vreg.gather [hbm4b:s7+s3], $0x80, v4, vm0, $0xb8;
	[tilespmem:$0x10080] =	vst v63  }
0x7d: {  	s28 =	simm.s32 $0x2880;
	v3 =	vperm.xlane v3, v2  }
0x7e: {  	[tilespmem:s28], [sflag:$0x1] =	stream.indirect_vreg.gather [hbm4b:s8+s3], $0x80, v4, vm0, $0xb8;
	[tilespmem:$0x10080] =	vst v63  }
0x7f: {  	v3 =	vadd.s32 v1, v3  }
0x80: {  	[tilespmem:s14], [sflag:$0x1] =	stream.indirect_vreg.gather [hbm4b:s9+s3], $0x80, v4, vm0, $0xb8;
	[tilespmem:$0x10080] =	vst v63  }
0x81: {  	_ = 	snop  }
0x82: {  	[tilespmem:s15], [sflag:$0x1] =	stream.indirect_vreg.gather [hbm4b:s10+s3], $0x80, v4, vm0, $0xb8;
	[tilespmem:$0x10080] =	vst v63  }
0x83: {  	_ = 	snop  }
0x84: {  	[tilespmem:s16], [sflag:$0x1] =	stream.indirect_vreg.gather [hbm4b:s1+s3], $0x80, v3, vm0, $0xb8;
	[tilespmem:$0x10080] =	vst v63  }
0x85: {  	_ = 	snop  }
0x86: {  	[tilespmem:s17], [sflag:$0x1] =	stream.indirect_vreg.gather [hbm4b:s4+s3], $0x80, v3, vm0, $0xb8;
	[tilespmem:$0x10080] =	vst v63  }
0x87: {  	_ = 	snop  }
0x88: {  	[tilespmem:s18], [sflag:$0x1] =	stream.indirect_vreg.gather [hbm4b:s5+s3], $0x80, v3, vm0, $0xb8;
	[tilespmem:$0x10080] =	vst v63  }
0x89: {  	_ = 	snop  }
0x8a: {  	[tilespmem:s19], [sflag:$0x1] =	stream.indirect_vreg.gather [hbm4b:s6+s3], $0x80, v3, vm0, $0xb8;
	[tilespmem:$0x10080] =	vst v63  }
0x8b: {  	_ = 	snop  }
0x8c: {  	[tilespmem:s20], [sflag:$0x1] =	stream.indirect_vreg.gather [hbm4b:s7+s3], $0x80, v3, vm0, $0xb8;
	[tilespmem:$0x10080] =	vst v63  }
0x8d: {  	_ = 	snop  }
0x8e: {  	[tilespmem:s21], [sflag:$0x1] =	stream.indirect_vreg.gather [hbm4b:s8+s3], $0x80, v3, vm0, $0xb8;
	[tilespmem:$0x10080] =	vst v63  }
0x8f: {  	_ = 	snop  }
0x90: {  	[tilespmem:s22], [sflag:$0x1] =	stream.indirect_vreg.gather [hbm4b:s9+s3], $0x80, v3, vm0, $0xb8;
	[tilespmem:$0x10080] =	vst v63  }
0x91: {  	_ = 	snop  }
0x92: {  	[tilespmem:s23], [sflag:$0x1] =	stream.indirect_vreg.gather [hbm4b:s10+s3], $0x80, v3, vm0, $0xb8;
	[tilespmem:$0x10080] =	vst v63  }
0x93: {  	v3 =	vld [tilespmem:$0x10];
	_ =	sdelay $0x4  }
0x94: {  	v63 =	vshll.u32 v3, $0x4  }
0x95: {  	v3 =	vand.u32 $0x7, v3;
	v4 =	vand.u32 $0xFFFFFF80, v63  }
0x96: {  	v3 =	vor.u32 v3, v4  }
0x97: {  	v4 =	vperm.xlane v3, v0;
	_ =	sdelay $0x1  }
0x98: {  	v4 =	vadd.s32 v1, v4;
	_ =	sdelay $0x4  }
0x99: {  	[tilespmem:s24], [sflag:$0x1] =	stream.indirect_vreg.gather [hbm4b:s1+s3], $0x80, v4, vm0, $0xb8;
	[tilespmem:$0x10080] =	vst v63  }
0x9a: {  	_ = 	snop  }
0x9b: {  	[tilespmem:s25], [sflag:$0x1] =	stream.indirect_vreg.gather [hbm4b:s4+s3], $0x80, v4, vm0, $0xb8;
	[tilespmem:$0x10080] =	vst v63  }
0x9c: {  	_ = 	snop  }
0x9d: {  	[tilespmem:s13], [sflag:$0x1] =	stream.indirect_vreg.gather [hbm4b:s5+s3], $0x80, v4, vm0, $0xb8;
	[tilespmem:$0x10080] =	vst v63  }
0x9e: {  	s28 =	simm.s32 $0x9880  }
0x9f: {  	[tilespmem:s28], [sflag:$0x1] =	stream.indirect_vreg.gather [hbm4b:s6+s3], $0x80, v4, vm0, $0xb8;
	[tilespmem:$0x10080] =	vst v63  }
0xa0: {  	s13 =	simm.s32 $0xA080  }
0xa1: {  	[tilespmem:s13], [sflag:$0x1] =	stream.indirect_vreg.gather [hbm4b:s7+s3], $0x80, v4, vm0, $0xb8;
	[tilespmem:$0x10080] =	vst v63  }
0xa2: {  	v3 =	vperm.xlane v3, v2;
	s28 =	simm.s32 $0xA880  }
0xa3: {  	[tilespmem:s28], [sflag:$0x1] =	stream.indirect_vreg.gather [hbm4b:s8+s3], $0x80, v4, vm0, $0xb8;
	[tilespmem:$0x10080] =	vst v63  }
0xa4: {  	v3 =	vadd.s32 v1, v3;
	s13 =	simm.s32 $0xB080  }
0xa5: {  	[tilespmem:s13], [sflag:$0x1] =	stream.indirect_vreg.gather [hbm4b:s9+s3], $0x80, v4, vm0, $0xb8;
	[tilespmem:$0x10080] =	vst v63  }
0xa6: {  	s28 =	simm.s32 $0xB880  }
0xa7: {  	[tilespmem:s28], [sflag:$0x1] =	stream.indirect_vreg.gather [hbm4b:s10+s3], $0x80, v4, vm0, $0xb8;
	[tilespmem:$0x10080] =	vst v63  }
0xa8: {  	s13 =	simm.s32 $0xC080  }
0xa9: {  	[tilespmem:s13], [sflag:$0x1] =	stream.indirect_vreg.gather [hbm4b:s1+s3], $0x80, v3, vm0, $0xb8;
	[tilespmem:$0x10080] =	vst v63  }
0xaa: {  	s28 =	simm.s32 $0xC880  }
0xab: {  	[tilespmem:s28], [sflag:$0x1] =	stream.indirect_vreg.gather [hbm4b:s4+s3], $0x80, v3, vm0, $0xb8;
	[tilespmem:$0x10080] =	vst v63  }
0xac: {  	s13 =	simm.s32 $0xD080  }
0xad: {  	[tilespmem:s13], [sflag:$0x1] =	stream.indirect_vreg.gather [hbm4b:s5+s3], $0x80, v3, vm0, $0xb8;
	[tilespmem:$0x10080] =	vst v63  }
0xae: {  	s28 =	simm.s32 $0xD880  }
0xaf: {  	[tilespmem:s28], [sflag:$0x1] =	stream.indirect_vreg.gather [hbm4b:s6+s3], $0x80, v3, vm0, $0xb8;
	[tilespmem:$0x10080] =	vst v63  }
0xb0: {  	s13 =	simm.s32 $0xE080  }
0xb1: {  	[tilespmem:s13], [sflag:$0x1] =	stream.indirect_vreg.gather [hbm4b:s7+s3], $0x80, v3, vm0, $0xb8;
	[tilespmem:$0x10080] =	vst v63  }
0xb2: {  	s28 =	simm.s32 $0xE880  }
0xb3: {  	[tilespmem:s28], [sflag:$0x1] =	stream.indirect_vreg.gather [hbm4b:s8+s3], $0x80, v3, vm0, $0xb8;
	[tilespmem:$0x10080] =	vst v63  }
0xb4: {  	s13 =	simm.s32 $0xF080  }
0xb5: {  	[tilespmem:s13], [sflag:$0x1] =	stream.indirect_vreg.gather [hbm4b:s9+s3], $0x80, v3, vm0, $0xb8;
	[tilespmem:$0x10080] =	vst v63  }
0xb6: {  	s28 =	simm.s32 $0xF880  }
0xb7: {  	[tilespmem:s28], [sflag:$0x1] =	stream.indirect_vreg.gather [hbm4b:s10+s3], $0x80, v3, vm0, $0xb8;
	[tilespmem:$0x10080] =	vst v63  }
0xb8: {  	_ =	swait.ge [sflag:s26], $0x10000  }
0xb9: {  	p0 =	sne.s32 s11, $0x1;
	[sflag:s26] =	ssyncset.done $0x0  }
.Ltmp0:
0xba: {  	s13 =	rddreg [dreg:$0x7];
	[sflag:s26] =	ssyncadd.s32 $0xFFFF0000;
	(pc) =	sbr.rel @p0 .LBB2_1-.Ltmp0, $4  }
0xbb: {  	[hbm4b:s13+s3] =	stream.linear.scatter [tilespmem:s0], [sflag:$0x2], $0x10000, $0x38;
	[tilespmem:$0x10080] =	vst v63  }
0xbc: {  	_ =	swait.ge [sflag:s12], $0x10000  }
0xbd: {  	[sflag:s12] =	ssyncset.done $0x0  }
0xbe: {  	s11 =	sadd.s32 $0xFFFFFFFF, s11;
	[sflag:s12] =	ssyncadd.s32 $0xFFFF0000  }
0xbf: {  	_ =	sfence.sel $0x180000  }
0xc0: {  	[bflag:$0x0] =	sbarrier.arrive $0xFFFF  }
0xc1: {  	_ =	strace $0x90000047  }
0xc2: {  	s0 =	stileid.u32;
	[bflag:$0x2] =	sbarrier.arrive $0xFFFF  }
0xc3: {  	p0 =	sne.s32 s0, $0x0;
	s0 =	rddreg [dreg:$0x3]  }
0xc4: {  	s0 =	sadd.s32 @!p0 $0x100000, s0  }
0xc5: {  	[sflag:s0] =	ssyncadd.tile.s32 @!p0 $0x1;
	_ =	shalt  }
.Lfunc_end2:
_tile_overlayer_lowered:
.L_overlay_start_2:
0xc6: {  	(tag) =	ssettag $0x2  }
0xc7: {  	s0 =	rddreg [dreg:$0x0];
	s2 =	stileid.u32  }
0xc8: {  	s1 =	rddreg [dreg:$0x1];
	p0 =	sne.s32 s2, $0x0  }
0xc9: {  	s3 =	rddreg [dreg:$0x2];
	[bflag:$0x3] =	sbarrier.arrive $0xFFFF;
	s2 =	simm.s32 @!p0 $0x1C02  }
0xca: {  	[timem:s3], [sflag:s2] =	dma.local @!p0 [hbm:s0], s1  }
0xcb: {  	s0 =	simm.s32 @!p0 $0x2  }
0xcc: {  	_ =	swait.ge @!p0 [sflag:s0], s1  }
0xcd: {  	s1 =	ssub.s32 @!p0 $0x0, s1;
	[sflag:s0] =	ssyncset.done @!p0 $0x0  }
0xce: {  	[sflag:s0] =	ssyncadd.s32 @!p0 s1  }
0xcf: {  	[bflag:$0x3] =	sbarrier.arrive $0xFFFF  }
0xd0: {  	_ =	shalt  }

</sc_bundles>
